<compile_context>
chip_gen: v7x
topology: tpu7x:2x2x1
jax: 0.10.2.dev20260603
libtpu: 0.0.44.dev20260713+nightly
codegen_flags: <defaults>
</compile_context>

<pallas_src>
import dataclasses

import jax
import jax.numpy as jnp
from jax import lax
from jax.experimental import pallas as pl
from jax.experimental.pallas import tpu as pltpu
from jax.experimental.pallas import tpu_sc as plsc

K = 5
B = 128
N = 100000
RT = 96
RB = 16
NRB = RT // RB
SC_ROWS = B - RT
L = 16


def _tc_body(y_vec_ref, x_ref, out_ref):
    j = pl.program_id(0)
    yv = y_vec_ref[...]
    x = x_ref[...]
    io = jax.lax.broadcasted_iota(jnp.int32, (RB, N), 1)

    eqy = io == yv
    v = jnp.max(jnp.where(eqy, x, -jnp.inf), axis=1, keepdims=True)
    hits = jnp.logical_or(
        x > v, jnp.logical_and(x == v, io < yv)
    ).astype(jnp.float32)
    cnt = jnp.sum(hits, axis=1, keepdims=True)
    part = jnp.sum((cnt < float(K)).astype(jnp.int32))

    @pl.when(j == 0)
    def _first():
        out_ref[0, 0] = part

    @pl.when(j > 0)
    def _rest():
        out_ref[0, 0] += part


def _tc_count(y_vec, y_pred):
    out = pl.pallas_call(
        _tc_body,
        grid=(NRB,),
        in_specs=[
            pl.BlockSpec((RB, 1), lambda j: (j, 0)),
            pl.BlockSpec((RB, N), lambda j: (j, 0)),
        ],
        out_specs=pl.BlockSpec(memory_space=pltpu.MemorySpace.SMEM),
        out_shape=jax.ShapeDtypeStruct((1, 1), jnp.int32),
        compiler_params=pltpu.CompilerParams(
            dimension_semantics=("arbitrary",),
        ),
    )(y_vec, y_pred)
    return out.reshape(())


def _sc_body(ypred_hbm, y_hbm, out_hbm, y_v, row_v, acc_v, flag_v, sem):
    wid = lax.axis_index("s") * 2 + lax.axis_index("c")
    i = RT + wid
    il = lax.iota(jnp.int32, L)

    pltpu.sync_copy(y_hbm.at[pl.ds((i // L) * L, L)], y_v)
    yi = jnp.sum(jnp.where(il == i % L, y_v[...], 0))

    pltpu.async_copy(ypred_hbm.at[i], row_v, sem).wait()

    voff = (yi // L) * L
    vchunk = row_v[pl.ds(voff, L)]
    v = jnp.sum(jnp.where(il == yi - voff, vchunk, 0.0))

    acc_v[...] = jnp.zeros((L,), jnp.float32)

    @pl.loop(0, N, step=L)
    def _(o):
        c = row_v[pl.ds(o, L)]
        lt = il < yi - o
        m = jnp.logical_or(c > v, jnp.logical_and(c == v, lt))
        acc_v[...] += jnp.where(m, 1.0, 0.0)

    cnt = jnp.sum(acc_v[...])
    flag = jnp.where(cnt < float(K), 1, 0)
    flag_v[...] = jnp.broadcast_to(flag, (L,)).astype(jnp.int32)
    pltpu.sync_copy(flag_v, out_hbm.at[wid])


_sc_count_cache = []


def _sc_count(y_pred, y32):
    if not _sc_count_cache:
        mesh = plsc.VectorSubcoreMesh(
            core_axis_name="c", subcore_axis_name="s", num_cores=2, num_subcores=16
        )
        cp = pltpu.CompilerParams()
        if "needs_layout_passes" in pltpu.CompilerParams.__dataclass_fields__:
            cp = dataclasses.replace(cp, needs_layout_passes=False)
        _sc_count_cache.append(
            pl.kernel(
                _sc_body,
                out_type=jax.ShapeDtypeStruct((SC_ROWS, L), jnp.int32),
                mesh=mesh,
                compiler_params=cp,
                scratch_types=[
                    pltpu.VMEM((L,), jnp.int32),
                    pltpu.VMEM((N,), jnp.float32),
                    pltpu.VMEM((L,), jnp.float32),
                    pltpu.VMEM((L,), jnp.int32),
                    pltpu.SemaphoreType.DMA,
                ],
            )
        )
    return _sc_count_cache[0](y_pred, y32)


def kernel(y_pred, y):
    y32 = y.astype(jnp.int32)
    sc_flags = _sc_count(y_pred, y32)
    tc_part = _tc_count(y32.reshape(B, 1), y_pred)
    return tc_part + jnp.sum(sc_flags[:, 0])

# --- scband reference (transcript-rebuilt; emitter-appended) ---
"""Pipeline reference for scband-accuracy-18176301596846 (READ-ONLY COPY).

The authoritative reference and input builder live on the scoring server;
editing this copy changes nothing except your own understanding.
"""

import jax, jax.numpy as jnp
import numpy as np

K = 5

def setup_inputs(seed: int = 0) -> dict:
    key = jax.random.key(seed)
    k1, k2 = jax.random.split(key)
    y_pred = jax.random.normal(k1, (128, 100000), dtype=jnp.float32)
    y = jax.random.randint(k2, (128,), 0, 100000, dtype=jnp.int64)
    return {"y_pred": y_pred, "y": y}

def reference(y_pred, y):
    # topk over dim=1, compare indices to label, sum reduction
    _, idx = jax.lax.top_k(y_pred, K)  # [B, K]
    result = idx == y[:, None].astype(idx.dtype)  # bool [B, K]
    return jnp.sum(result)

if __name__ == "__main__":
    import jax
    _d = setup_inputs()
    print(jax.jit(kernel)(*tuple(_d.values())))

</pallas_src>

<mosaic_0001>
#map = affine_map<(d0, d1) -> (0, 0)>
#map1 = affine_map<(d0, d1) -> (0)>
module attributes {stable_mosaic.version = 14 : i64} {
  func.func @_sc_body(%arg0: i32, %arg1: i32, %arg2: memref<128x100000xf32, #tpu.memory_space<hbm>>, %arg3: memref<128xi32, #tpu.memory_space<hbm>>, %arg4: memref<32x16xi32, #tpu.memory_space<hbm>>, %arg5: memref<16xi32, #tpu.memory_space<vmem>>, %arg6: memref<100000xf32, #tpu.memory_space<vmem>>, %arg7: memref<16xf32, #tpu.memory_space<vmem>>, %arg8: memref<16xi32, #tpu.memory_space<vmem>>, %arg9: memref<!tpu.dma_semaphore, #tpu.memory_space<semaphore_mem>>) attributes {dimension_semantics = [#tpu.dimension_semantics<core_parallel>, #tpu.dimension_semantics<subcore_parallel>], iteration_bounds = array<i64: 2, 16>, scalar_prefetch = 0 : i64, scratch_operands = 5 : i64, tpu.core_type = #tpu.core_type<sc_vector_subcore>, window_params = [{transform_indices = #map}, {transform_indices = #map1}, {transform_indices = #map}]} {
    %mul3A = arith.constant 2 : i32
    %mul3A_0 = arith.muli %arg1, %mul3A : i32
    %add3A = arith.addi %mul3A_0, %arg0 : i32
    %add3A_1 = arith.constant 96 : i32
    %add3A_2 = arith.addi %add3A_1, %add3A : i32
    %iota3A = tpu.iota {dimensions = array<i32: 0>} : vector<16xi32>
    %jit3A = arith.constant 16 : i32
    %div3A = arith.divsi %add3A_2, %jit3A : i32
    %sign3A = arith.constant 0 : i32
    %sign3A_3 = arith.cmpi sgt, %add3A_2, %sign3A : i32
    %sign3A_4 = arith.extui %sign3A_3 : i1 to i32
    %sign3A_5 = arith.constant 0 : i32
    %sign3A_6 = arith.cmpi slt, %add3A_2, %sign3A_5 : i32
    %sign3A_7 = arith.extui %sign3A_6 : i1 to i32
    %sign3A_8 = arith.subi %sign3A_4, %sign3A_7 : i32
    %sign3A_9 = arith.constant 0 : i32
    %sign3A_10 = arith.cmpi sgt, %jit3A, %sign3A_9 : i32
    %sign3A_11 = arith.extui %sign3A_10 : i1 to i32
    %sign3A_12 = arith.constant 0 : i32
    %sign3A_13 = arith.cmpi slt, %jit3A, %sign3A_12 : i32
    %sign3A_14 = arith.extui %sign3A_13 : i1 to i32
    %sign3A_15 = arith.subi %sign3A_11, %sign3A_14 : i32
    %ne3A = arith.cmpi ne, %sign3A_8, %sign3A_15 : i32
    %rem3A = arith.remsi %add3A_2, %jit3A : i32
    %ne3A_16 = arith.constant 0 : i32
    %ne3A_17 = arith.cmpi ne, %rem3A, %ne3A_16 : i32
    %and3A = arith.andi %ne3A, %ne3A_17 : i1
    %sub3A = arith.constant 1 : i32
    %sub3A_18 = arith.subi %div3A, %sub3A : i32
    %select_n3A = arith.select %and3A, %sub3A_18, %div3A : i32
    %mul3A_19 = arith.constant 16 : i32
    %mul3A_20 = arith.muli %select_n3A, %mul3A_19 : i32
    "tpu.region"() ({
      %run_scoped3A = tpu.sem_alloc : memref<!tpu.dma_semaphore, #tpu.memory_space<semaphore_mem>>
      %dma_start3A_112 = tpu.memref_slice %arg3[%mul3A_20] : memref<128xi32, #tpu.memory_space<hbm>> -> memref<16xi32, #tpu.memory_space<hbm>>
      %dma_start3A_113 = tpu.memref_slice %arg3[%mul3A_20] : memref<128xi32, #tpu.memory_space<hbm>> -> memref<16xi32, #tpu.memory_space<hbm>>
      tpu.enqueue_dma source(%dma_start3A_113 : memref<16xi32, #tpu.memory_space<hbm>>) target(%arg5 : memref<16xi32, #tpu.memory_space<vmem>>) target_semaphore(%run_scoped3A : memref<!tpu.dma_semaphore, #tpu.memory_space<semaphore_mem>>)
      %dma_wait3A_114 = tpu.memref_slice %arg3[%mul3A_20] : memref<128xi32, #tpu.memory_space<hbm>> -> memref<16xi32, #tpu.memory_space<hbm>>
      %dma_wait3A_115 = tpu.memref_slice %arg3[%mul3A_20] : memref<128xi32, #tpu.memory_space<hbm>> -> memref<16xi32, #tpu.memory_space<hbm>>
      tpu.wait_dma2 semaphore(%run_scoped3A : memref<!tpu.dma_semaphore, #tpu.memory_space<semaphore_mem>>) src(%dma_wait3A_115 : memref<16xi32, #tpu.memory_space<hbm>>) dst(%arg5 : memref<16xi32, #tpu.memory_space<vmem>>)
      tpu.yield
    }) : () -> ()
    %jit3A_21 = arith.constant 16 : i32
    %eq3A = arith.constant 0 : i32
    %eq3A_22 = arith.cmpi eq, %jit3A_21, %eq3A : i32
    %jit3A_23 = arith.constant 1 : i32
    %select_n3A_24 = arith.select %eq3A_22, %jit3A_23, %jit3A_21 : i32
    %rem3A_25 = arith.remsi %add3A_2, %select_n3A_24 : i32
    %ne3A_26 = arith.constant 0 : i32
    %ne3A_27 = arith.cmpi ne, %rem3A_25, %ne3A_26 : i32
    %lt3A = arith.constant 0 : i32
    %lt3A_28 = arith.cmpi slt, %rem3A_25, %lt3A : i32
    %lt3A_29 = arith.constant 0 : i32
    %lt3A_30 = arith.cmpi slt, %select_n3A_24, %lt3A_29 : i32
    %ne3A_31 = arith.xori %lt3A_28, %lt3A_30 : i1
    %and3A_32 = arith.andi %ne3A_31, %ne3A_27 : i1
    %add3A_33 = arith.addi %rem3A_25, %select_n3A_24 : i32
    %select_n3A_34 = arith.select %and3A_32, %add3A_33, %rem3A_25 : i32
    %eq3A_35 = vector.broadcast %select_n3A_34 : i32 to vector<16xi32>
    %eq3A_36 = arith.cmpi eq, %iota3A, %eq3A_35 : vector<16xi32>
    %get3A = arith.constant 0 : index
    %get3A_37 = tpu.vector_load %arg5[%get3A] {strides = array<i32>} : memref<16xi32, #tpu.memory_space<vmem>>, vector<16xi32>,
    %jit3A_38 = arith.constant 0 : i32
    %broadcast_in_dim3A = vector.broadcast %jit3A_38 : i32 to vector<16xi32>
    %select_n3A_39 = arith.select %eq3A_36, %get3A_37, %broadcast_in_dim3A : vector<16xi1>, vector<16xi32>
    %reduce_sum3A = arith.constant true
    %reduce_sum3A_40 = vector.broadcast %reduce_sum3A : i1 to vector<16xi1>
    %reduce_sum3A_41 = tpu.scan <sum>, %select_n3A_39 masked %reduce_sum3A_40 : vector<16xi32>, vector<16xi1> -> vector<16xi32>
    %reduce_sum3A_42 = vector.extract %reduce_sum3A_41[15] : i32 from vector<16xi32>
    %dma_start3A = arith.constant 0 : i32
    %dma_start3A_43 = tpu.memref_slice %arg2[%add3A_2, %dma_start3A] : memref<128x100000xf32, #tpu.memory_space<hbm>> -> memref<1x100000xf32, #tpu.memory_space<hbm>>
    %dma_start3A_44 = tpu.memref_squeeze %dma_start3A_43 : memref<1x100000xf32, #tpu.memory_space<hbm>> -> memref<100000xf32, #tpu.memory_space<hbm>>
    %dma_start3A_45 = arith.constant 0 : i32
    %dma_start3A_46 = tpu.memref_slice %arg2[%add3A_2, %dma_start3A_45] : memref<128x100000xf32, #tpu.memory_space<hbm>> -> memref<1x100000xf32, #tpu.memory_space<hbm>>
    %dma_start3A_47 = tpu.memref_squeeze %dma_start3A_46 : memref<1x100000xf32, #tpu.memory_space<hbm>> -> memref<100000xf32, #tpu.memory_space<hbm>>
    tpu.enqueue_dma source(%dma_start3A_47 : memref<100000xf32, #tpu.memory_space<hbm>>) target(%arg6 : memref<100000xf32, #tpu.memory_space<vmem>>) target_semaphore(%arg9 : memref<!tpu.dma_semaphore, #tpu.memory_space<semaphore_mem>>)
    %dma_wait3A = arith.constant 0 : i32
    %dma_wait3A_48 = tpu.memref_slice %arg2[%add3A_2, %dma_wait3A] : memref<128x100000xf32, #tpu.memory_space<hbm>> -> memref<1x100000xf32, #tpu.memory_space<hbm>>
    %dma_wait3A_49 = tpu.memref_squeeze %dma_wait3A_48 : memref<1x100000xf32, #tpu.memory_space<hbm>> -> memref<100000xf32, #tpu.memory_space<hbm>>
    %dma_wait3A_50 = arith.constant 0 : i32
    %dma_wait3A_51 = tpu.memref_slice %arg2[%add3A_2, %dma_wait3A_50] : memref<128x100000xf32, #tpu.memory_space<hbm>> -> memref<1x100000xf32, #tpu.memory_space<hbm>>
    %dma_wait3A_52 = tpu.memref_squeeze %dma_wait3A_51 : memref<1x100000xf32, #tpu.memory_space<hbm>> -> memref<100000xf32, #tpu.memory_space<hbm>>
    tpu.wait_dma2 semaphore(%arg9 : memref<!tpu.dma_semaphore, #tpu.memory_space<semaphore_mem>>) src(%dma_wait3A_52 : memref<100000xf32, #tpu.memory_space<hbm>>) dst(%arg6 : memref<100000xf32, #tpu.memory_space<vmem>>)
    %jit3A_53 = arith.constant 16 : i32
    %div3A_54 = arith.divsi %reduce_sum3A_42, %jit3A_53 : i32
    %sign3A_55 = arith.constant 0 : i32
    %sign3A_56 = arith.cmpi sgt, %reduce_sum3A_42, %sign3A_55 : i32
    %sign3A_57 = arith.extui %sign3A_56 : i1 to i32
    %sign3A_58 = arith.constant 0 : i32
    %sign3A_59 = arith.cmpi slt, %reduce_sum3A_42, %sign3A_58 : i32
    %sign3A_60 = arith.extui %sign3A_59 : i1 to i32
    %sign3A_61 = arith.subi %sign3A_57, %sign3A_60 : i32
    %sign3A_62 = arith.constant 0 : i32
    %sign3A_63 = arith.cmpi sgt, %jit3A_53, %sign3A_62 : i32
    %sign3A_64 = arith.extui %sign3A_63 : i1 to i32
    %sign3A_65 = arith.constant 0 : i32
    %sign3A_66 = arith.cmpi slt, %jit3A_53, %sign3A_65 : i32
    %sign3A_67 = arith.extui %sign3A_66 : i1 to i32
    %sign3A_68 = arith.subi %sign3A_64, %sign3A_67 : i32
    %ne3A_69 = arith.cmpi ne, %sign3A_61, %sign3A_68 : i32
    %rem3A_70 = arith.remsi %reduce_sum3A_42, %jit3A_53 : i32
    %ne3A_71 = arith.constant 0 : i32
    %ne3A_72 = arith.cmpi ne, %rem3A_70, %ne3A_71 : i32
    %and3A_73 = arith.andi %ne3A_69, %ne3A_72 : i1
    %sub3A_74 = arith.constant 1 : i32
    %sub3A_75 = arith.subi %div3A_54, %sub3A_74 : i32
    %select_n3A_76 = arith.select %and3A_73, %sub3A_75, %div3A_54 : i32
    %mul3A_77 = arith.constant 16 : i32
    %mul3A_78 = arith.muli %select_n3A_76, %mul3A_77 : i32
    %get3A_79 = arith.index_cast %mul3A_78 : i32 to index
    %get3A_80 = tpu.vector_load %arg6[%get3A_79] {strides = array<i32>} : memref<100000xf32, #tpu.memory_space<vmem>>, vector<16xf32>,
    %sub3A_81 = arith.subi %reduce_sum3A_42, %mul3A_78 : i32
    %eq3A_82 = vector.broadcast %sub3A_81 : i32 to vector<16xi32>
    %eq3A_83 = arith.cmpi eq, %iota3A, %eq3A_82 : vector<16xi32>
    %jit3A_84 = arith.constant 0.000000e+00 : f32
    %broadcast_in_dim3A_85 = vector.broadcast %jit3A_84 : f32 to vector<16xf32>
    %select_n3A_86 = arith.select %eq3A_83, %get3A_80, %broadcast_in_dim3A_85 : vector<16xi1>, vector<16xf32>
    %reduce_sum3A_87 = arith.constant true
    %reduce_sum3A_88 = vector.broadcast %reduce_sum3A_87 : i1 to vector<16xi1>
    %reduce_sum3A_89 = tpu.scan <sum>, %select_n3A_86 masked %reduce_sum3A_88 : vector<16xf32>, vector<16xi1> -> vector<16xf32>
    %reduce_sum3A_90 = vector.extract %reduce_sum3A_89[15] : f32 from vector<16xf32>
    %broadcast_in_dim3A_91 = arith.constant 0.000000e+00 : f32
    %broadcast_in_dim3A_92 = vector.broadcast %broadcast_in_dim3A_91 : f32 to vector<16xf32>
    %swap3A = arith.constant 0 : index
    %swap3A_93 = tpu.vector_load %arg7[%swap3A] {strides = array<i32>} : memref<16xf32, #tpu.memory_space<vmem>>, vector<16xf32>,
    tpu.vector_store %arg7[%swap3A], %broadcast_in_dim3A_92 {strides = array<i32>} : memref<16xf32, #tpu.memory_space<vmem>>, vector<16xf32>,
    %scan3A = arith.constant 0 : i32
    %scan3A_94 = arith.constant 6250 : i32
    %scan3A_95 = arith.addi %scan3A, %scan3A_94 : i32
    %scan3A_96 = arith.constant 1 : i32
    scf.for %scan3A_112 = %scan3A to %scan3A_95 step %scan3A_96  : i32 {
      %mul3A_113 = arith.constant 16 : i32
      %mul3A_114 = arith.muli %scan3A_112, %mul3A_113 : i32
      %add3A_115 = arith.constant 0 : i32
      %add3A_116 = arith.addi %add3A_115, %mul3A_114 : i32
      %get3A_117 = arith.index_cast %add3A_116 : i32 to index
      %get3A_118 = tpu.vector_load %arg6[%get3A_117] {strides = array<i32>} : memref<100000xf32, #tpu.memory_space<vmem>>, vector<16xf32>,
      %sub3A_119 = arith.subi %reduce_sum3A_42, %add3A_116 : i32
      %lt3A_120 = vector.broadcast %sub3A_119 : i32 to vector<16xi32>
      %lt3A_121 = arith.cmpi slt, %iota3A, %lt3A_120 : vector<16xi32>
      %gt3A = vector.broadcast %reduce_sum3A_90 : f32 to vector<16xf32>
      %gt3A_122 = arith.cmpf ogt, %get3A_118, %gt3A : vector<16xf32>
      %eq3A_123 = vector.broadcast %reduce_sum3A_90 : f32 to vector<16xf32>
      %eq3A_124 = arith.cmpf oeq, %get3A_118, %eq3A_123 : vector<16xf32>
      %and3A_125 = arith.andi %eq3A_124, %lt3A_121 : vector<16xi1>
      %or3A = arith.ori %gt3A_122, %and3A_125 : vector<16xi1>
      %get3A_126 = arith.constant 0 : index
      %get3A_127 = tpu.vector_load %arg7[%get3A_126] {strides = array<i32>} : memref<16xf32, #tpu.memory_space<vmem>>, vector<16xf32>,
      %jit3A_128 = arith.constant 1.000000e+00 : f32
      %jit3A_129 = arith.constant 0.000000e+00 : f32
      %broadcast_in_dim3A_130 = vector.broadcast %jit3A_128 : f32 to vector<16xf32>
      %broadcast_in_dim3A_131 = vector.broadcast %jit3A_129 : f32 to vector<16xf32>
      %select_n3A_132 = arith.select %or3A, %broadcast_in_dim3A_130, %broadcast_in_dim3A_131 : vector<16xi1>, vector<16xf32>
      %add3A_133 = arith.addf %get3A_127, %select_n3A_132 : vector<16xf32>
      %swap3A_134 = arith.constant 0 : index
      %swap3A_135 = tpu.vector_load %arg7[%swap3A_134] {strides = array<i32>} : memref<16xf32, #tpu.memory_space<vmem>>, vector<16xf32>,
      tpu.vector_store %arg7[%swap3A_134], %add3A_133 {strides = array<i32>} : memref<16xf32, #tpu.memory_space<vmem>>, vector<16xf32>,
    }
    %scan3A_97 = arith.constant 6250 : i32
    %get3A_98 = arith.constant 0 : index
    %get3A_99 = tpu.vector_load %arg7[%get3A_98] {strides = array<i32>} : memref<16xf32, #tpu.memory_space<vmem>>, vector<16xf32>,
    %reduce_sum3A_100 = arith.constant true
    %reduce_sum3A_101 = vector.broadcast %reduce_sum3A_100 : i1 to vector<16xi1>
    %reduce_sum3A_102 = tpu.scan <sum>, %get3A_99 masked %reduce_sum3A_101 : vector<16xf32>, vector<16xi1> -> vector<16xf32>
    %reduce_sum3A_103 = vector.extract %reduce_sum3A_102[15] : f32 from vector<16xf32>
    %lt3A_104 = arith.constant 5.000000e+00 : f32
    %lt3A_105 = arith.cmpf olt, %reduce_sum3A_103, %lt3A_104 : f32
    %jit3A_106 = arith.constant 1 : i32
    %jit3A_107 = arith.constant 0 : i32
    %select_n3A_108 = arith.select %lt3A_105, %jit3A_106, %jit3A_107 : i32
    %broadcast_in_dim3A_109 = vector.broadcast %select_n3A_108 : i32 to vector<16xi32>
    %swap3A_110 = arith.constant 0 : index
    %swap3A_111 = tpu.vector_load %arg8[%swap3A_110] {strides = array<i32>} : memref<16xi32, #tpu.memory_space<vmem>>, vector<16xi32>,
    tpu.vector_store %arg8[%swap3A_110], %broadcast_in_dim3A_109 {strides = array<i32>} : memref<16xi32, #tpu.memory_space<vmem>>, vector<16xi32>,
    "tpu.region"() ({
      %run_scoped3A = tpu.sem_alloc : memref<!tpu.dma_semaphore, #tpu.memory_space<semaphore_mem>>
      %dma_start3A_112 = arith.constant 0 : i32
      %dma_start3A_113 = tpu.memref_slice %arg4[%add3A, %dma_start3A_112] : memref<32x16xi32, #tpu.memory_space<hbm>> -> memref<1x16xi32, #tpu.memory_space<hbm>>
      %dma_start3A_114 = tpu.memref_squeeze %dma_start3A_113 : memref<1x16xi32, #tpu.memory_space<hbm>> -> memref<16xi32, #tpu.memory_space<hbm>>
      %dma_start3A_115 = arith.constant 0 : i32
      %dma_start3A_116 = tpu.memref_slice %arg4[%add3A, %dma_start3A_115] : memref<32x16xi32, #tpu.memory_space<hbm>> -> memref<1x16xi32, #tpu.memory_space<hbm>>
      %dma_start3A_117 = tpu.memref_squeeze %dma_start3A_116 : memref<1x16xi32, #tpu.memory_space<hbm>> -> memref<16xi32, #tpu.memory_space<hbm>>
      tpu.enqueue_dma source(%arg8 : memref<16xi32, #tpu.memory_space<vmem>>) target(%dma_start3A_117 : memref<16xi32, #tpu.memory_space<hbm>>) target_semaphore(%run_scoped3A : memref<!tpu.dma_semaphore, #tpu.memory_space<semaphore_mem>>)
      %dma_wait3A_118 = arith.constant 0 : i32
      %dma_wait3A_119 = tpu.memref_slice %arg4[%add3A, %dma_wait3A_118] : memref<32x16xi32, #tpu.memory_space<hbm>> -> memref<1x16xi32, #tpu.memory_space<hbm>>
      %dma_wait3A_120 = tpu.memref_squeeze %dma_wait3A_119 : memref<1x16xi32, #tpu.memory_space<hbm>> -> memref<16xi32, #tpu.memory_space<hbm>>
      %dma_wait3A_121 = arith.constant 0 : i32
      %dma_wait3A_122 = tpu.memref_slice %arg4[%add3A, %dma_wait3A_121] : memref<32x16xi32, #tpu.memory_space<hbm>> -> memref<1x16xi32, #tpu.memory_space<hbm>>
      %dma_wait3A_123 = tpu.memref_squeeze %dma_wait3A_122 : memref<1x16xi32, #tpu.memory_space<hbm>> -> memref<16xi32, #tpu.memory_space<hbm>>
      tpu.wait_dma2 semaphore(%run_scoped3A : memref<!tpu.dma_semaphore, #tpu.memory_space<semaphore_mem>>) src(%arg8 : memref<16xi32, #tpu.memory_space<vmem>>) dst(%dma_wait3A_123 : memref<16xi32, #tpu.memory_space<hbm>>)
      tpu.yield
    }) : () -> ()
    return
  }
}

module attributes {stable_mosaic.version = 14 : i64} {
  func.func @_tc_body(%arg0: i32, %arg1: memref<16x1xi32, #tpu.memory_space<vmem>>, %arg2: memref<16x100000xf32, #tpu.memory_space<vmem>>, %arg3: memref<1x1xi32, #tpu.memory_space<smem>>) attributes {dimension_semantics = [#tpu.dimension_semantics<arbitrary>], iteration_bounds = array<i64: 6>, scalar_prefetch = 0 : i64, scratch_operands = 0 : i64, tpu.core_type = #tpu.core_type<tc>, window_params = [{transform_indices = @transform_0, window_bounds = array<i64: 16, 1>}, {transform_indices = @transform_1, window_bounds = array<i64: 16, 100000>}, {transform_indices = @transform_2, window_bounds = array<i64: 1, 1>}]} {
    %get3A = arith.constant 0 : index
    %get3A_0 = arith.constant 0 : index
    %get3A_1 = vector.load %arg1[%get3A, %get3A_0] : memref<16x1xi32, #tpu.memory_space<vmem>>, vector<16x1xi32>
    %get3A_2 = arith.constant 0 : index
    %get3A_3 = arith.constant 0 : index
    %get3A_4 = vector.load %arg2[%get3A_2, %get3A_3] : memref<16x100000xf32, #tpu.memory_space<vmem>>, vector<16x100000xf32>
    %iota3A = tpu.iota {dimensions = array<i32: 1>} : vector<16x100000xi32>
    %eq3A = vector.broadcast %get3A_1 : vector<16x1xi32> to vector<16x100000xi32>
    %eq3A_5 = arith.cmpi eq, %iota3A, %eq3A : vector<16x100000xi32>
    %jit3A = arith.constant 0xFF800000 : f32
    %broadcast_in_dim3A = vector.broadcast %jit3A : f32 to vector<16x100000xf32>
    %select_n3A = arith.select %eq3A_5, %get3A_4, %broadcast_in_dim3A : vector<16x100000xi1>, vector<16x100000xf32>
    %reduce_max3A = arith.constant dense<0xFF800000> : vector<16xf32>
    %reduce_max3A_6 = vector.multi_reduction <maximumf>, %select_n3A, %reduce_max3A [1] : vector<16x100000xf32> to vector<16xf32>
    %broadcast_in_dim3A_7 = vector.shape_cast %reduce_max3A_6 : vector<16xf32> to vector<16x1xf32>
    %gt3A = vector.broadcast %broadcast_in_dim3A_7 : vector<16x1xf32> to vector<16x100000xf32>
    %gt3A_8 = arith.cmpf ogt, %get3A_4, %gt3A : vector<16x100000xf32>
    %eq3A_9 = vector.broadcast %broadcast_in_dim3A_7 : vector<16x1xf32> to vector<16x100000xf32>
    %eq3A_10 = arith.cmpf oeq, %get3A_4, %eq3A_9 : vector<16x100000xf32>
    %lt3A = vector.broadcast %get3A_1 : vector<16x1xi32> to vector<16x100000xi32>
    %lt3A_11 = arith.cmpi slt, %iota3A, %lt3A : vector<16x100000xi32>
    %and3A = arith.andi %eq3A_10, %lt3A_11 : vector<16x100000xi1>
    %or3A = arith.ori %gt3A_8, %and3A : vector<16x100000xi1>
    %convert_element_type3A = arith.extui %or3A : vector<16x100000xi1> to vector<16x100000xi32>
    %convert_element_type3A_12 = arith.sitofp %convert_element_type3A : vector<16x100000xi32> to vector<16x100000xf32>
    %reduce_sum3A = arith.constant dense<0.000000e+00> : vector<16xf32>
    %reduce_sum3A_13 = vector.multi_reduction <add>, %convert_element_type3A_12, %reduce_sum3A [1] : vector<16x100000xf32> to vector<16xf32>
    %broadcast_in_dim3A_14 = vector.shape_cast %reduce_sum3A_13 : vector<16xf32> to vector<16x1xf32>
    %lt3A_15 = arith.constant 5.000000e+00 : f32
    %lt3A_16 = vector.broadcast %lt3A_15 : f32 to vector<16x1xf32>
    %lt3A_17 = arith.cmpf olt, %broadcast_in_dim3A_14, %lt3A_16 : vector<16x1xf32>
    %convert_element_type3A_18 = arith.extui %lt3A_17 : vector<16x1xi1> to vector<16x1xi32>
    %reduce_sum3A_19 = vector.shape_cast %convert_element_type3A_18 : vector<16x1xi32> to vector<1x16x1xi32>
    %reduce_sum3A_20 = arith.constant dense<0> : vector<1xi32>
    %reduce_sum3A_21 = vector.multi_reduction <add>, %reduce_sum3A_19, %reduce_sum3A_20 [1, 2] : vector<1x16x1xi32> to vector<1xi32>
    %reduce_sum3A_22 = vector.shape_cast %reduce_sum3A_21 : vector<1xi32> to vector<1x1x1xi32>
    %reduce_sum3A_23 = vector.extract %reduce_sum3A_22[0, 0, 0] : i32 from vector<1x1x1xi32>
    %eq3A_24 = arith.constant 0 : i32
    %eq3A_25 = arith.cmpi eq, %arg0, %eq3A_24 : i32
    %convert_element_type3A_26 = arith.extui %eq3A_25 : i1 to i32
    %cond3A = arith.constant 0 : i32
    %cond3A_27 = arith.cmpi ne, %convert_element_type3A_26, %cond3A : i32
    scf.if %cond3A_27 {
      %swap3A = arith.constant 0 : index
      %swap3A_33 = arith.constant 0 : index
      %swap3A_34 = memref.load %arg3[%swap3A, %swap3A_33] : memref<1x1xi32, #tpu.memory_space<smem>>
      memref.store %reduce_sum3A_23, %arg3[%swap3A, %swap3A_33] : memref<1x1xi32, #tpu.memory_space<smem>>
    } else {
    }
    %gt3A_28 = arith.constant 0 : i32
    %gt3A_29 = arith.cmpi sgt, %arg0, %gt3A_28 : i32
    %convert_element_type3A_30 = arith.extui %gt3A_29 : i1 to i32
    %cond3A_31 = arith.constant 0 : i32
    %cond3A_32 = arith.cmpi ne, %convert_element_type3A_30, %cond3A_31 : i32
    scf.if %cond3A_32 {
      %get3A_33 = arith.constant 0 : index
      %get3A_34 = arith.constant 0 : index
      %get3A_35 = memref.load %arg3[%get3A_33, %get3A_34] : memref<1x1xi32, #tpu.memory_space<smem>>
      %add3A = arith.addi %get3A_35, %reduce_sum3A_23 : i32
      %swap3A = arith.constant 0 : index
      %swap3A_36 = arith.constant 0 : index
      %swap3A_37 = memref.load %arg3[%swap3A, %swap3A_36] : memref<1x1xi32, #tpu.memory_space<smem>>
      memref.store %add3A, %arg3[%swap3A, %swap3A_36] : memref<1x1xi32, #tpu.memory_space<smem>>
    } else {
    }
    return
  }
  func.func @transform_0(%arg0: i32) -> (i32, i32) {
    %c0_i32 = arith.constant 0 : i32
    %c0_i32_0 = arith.constant 0 : i32
    return %arg0, %c0_i32 : i32, i32
  }
  func.func @transform_1(%arg0: i32) -> (i32, i32) {
    %c0_i32 = arith.constant 0 : i32
    %c0_i32_0 = arith.constant 0 : i32
    return %arg0, %c0_i32 : i32, i32
  }
  func.func @transform_2(%arg0: i32) -> (i32, i32) {
    %c0_i32 = arith.constant 0 : i32
    %c0_i32_0 = arith.constant 0 : i32
    %c0_i32_1 = arith.constant 0 : i32
    return %c0_i32, %c0_i32_0 : i32, i32
  }
}

</mosaic_0001>

<sc_bundles>
// kernel: kernel.4.cloned.1.call-start
scs
__scs_entry_jumppad:
0x0: {  	(pc) =	sbr.rel $0x88, $3  }
0x1: {  	(tag) =	ssettag $0x0;
	lr =	simm.s32 $0x1  }
0x2: {  	[smem:$0x3F9F] =	sst lr;
	_ =	strace $0xD0000000  }
0x3: {  	_ = 	snop  }
0x4: {  	_ = 	snop  }
0x5: {  	_ = 	snop  }
0x6: {  	_ = 	snop  }
0x7: {  	_ = 	snop  }
__scs_overlays_trampoline_lowered:
0x8: {  	[smem:$0x3FAE] =	sst s0  }
0x9: {  	[smem:$0x3FAF] =	sst s1  }
0xa: {  	[smem:$0x3FB0] =	sst s2  }
0xb: {  	[smem:$0x3FB1] =	sst s3  }
0xc: {  	[smem:$0x3FB2] =	sst s4  }
0xd: {  	[smem:$0x3FB3] =	sst s5  }
0xe: {  	[smem:$0x3FB4] =	sst s6  }
0xf: {  	[smem:$0x3FB5] =	sst s7  }
0x10: {  	[smem:$0x3FB6] =	sst s8  }
0x11: {  	[smem:$0x3FB7] =	sst s9;
	s0 =	simm.s32 @!p0 $0x0  }
0x12: {  	s1 =	sld [smem:$0x3F9D];
	s0 =	simm.s32 @p0 $0x1  }
0x13: {  	[smem:$0x3FB8] =	sst s0;
	s0 =	simm.s32 @!p1 $0x0  }
0x14: {  	s2 =	sld [smem:$0x3F9C];
	s0 =	simm.s32 @p1 $0x1  }
0x15: {  	[smem:$0x3FB9] =	sst s0;
	s0 =	simm.s32 @!p2 $0x0  }
0x16: {  	s3 =	sld [smem:$0x3FDB];
	s0 =	simm.s32 @p2 $0x1  }
0x17: {  	s4 =	simm.s32 $0x1BF5;
	[smem:$0x3FBB] =	sst s0  }
0x18: {  	s0 =	sld [smem:$0x3F9E];
	_ =	swait.ge [sflag:s4], $0x0  }
0x19: {  	s7 =	sld [smem:$0x3F9F]  }
0x1a: {  	s8 =	sadd.s32 $0xFFFFE003, lr  }
0x1b: {  	s9 =	sadd.s32 $0xFFFFFEF7, lr;
	s5 =	simm.s32 $0xFFFFFFFF;
	p2 =	slt.u32 s8, $0xFFFFF086  }
0x1c: {  	p1 =	slt.u32 s9, $0xF7A;
	s5 =	simm.s32 @!p2 $0x0  }
0x1d: {  	s5 =	simm.s32 @p1 $0x1;
	p0 =	seq.s32 s7, s2  }
0x1e: {  	s7 =	smul.u32 @!p0 $0xF7A, s2;
	p2 =	seq.s32 @!p0 s5, $0x0  }
0x1f: {  	s9 =	smul.u32 $0xF7A, s1;
	s8 =	simm.s32 @!p0 $0x1BF5;
	p2 =	por !p2, p0  }
0x20: {  	[sflag:s8] =	ssyncset.s32 @!p0 $0xFFFFF086;
	s6 =	sadd.s32 @!p0 s3, s7;
	s7 =	simm.s32 @!p0 $0x108  }
0x21: {  	s3 =	sadd.s32 s3, s9;
	s6 =	sadd.s32 @!p0 $0x88, s6;
	s7 =	simm.s32 @p2 $0x1082  }
0x22: {  	[simem:s7], [sflag:s8] =	dma.local @!p0 [hbm:s6], $0xF7A  }
0x23: {  	s9 =	sor.u32 $0xD0000000, s2;
	s6 =	simm.s32 $0x108;
	_ =	swait.ge @!p0 [sflag:s8], $0x0  }
0x24: {  	s3 =	sadd.s32 $0x88, s3;
	s6 =	simm.s32 @!p1 $0x1082;
	[sflag:s4] =	ssyncset.s32 $0xFFFFF086  }
0x25: {  	[simem:s6], [sflag:s4] =	dma.local [hbm:s3], $0xF7A  }
0x26: {  	[smem:$0x3F9F] =	sst s1;
	(tag) =	ssettag s2;
	_ =	strace s9  }
0x27: {  	s1 =	sld [smem:$0x3FAF]  }
0x28: {  	s2 =	sld [smem:$0x3FB0]  }
0x29: {  	s4 =	sld [smem:$0x3FB2]  }
0x2a: {  	p0 =	seq.s32 s5, $0x0;
	s5 =	sld [smem:$0x3FB3]  }
0x2b: {  	s6 =	sld [smem:$0x3FB4]  }
0x2c: {  	s7 =	sld [smem:$0x3FB5]  }
0x2d: {  	s3 =	simm.s32 $0x108;
	s8 =	sld [smem:$0x3FB6]  }
0x2e: {  	s3 =	simm.s32 @!p0 $0x1082;
	s9 =	sld [smem:$0x3FB7]  }
0x2f: {  	lr =	sadd.s32 s0, s3;
	s0 =	sld [smem:$0x3FAE]  }
0x30: {  	s3 =	sld [smem:$0x3FB1]  }
0x31: {  	[smem:$0x3FBA] =	sst s10  }
0x32: {  	s10 =	sld [smem:$0x3FB8];
	_ =	sdelay $0x3  }
0x33: {  	p0 =	seq.s32 s10, $0x1;
	s10 =	sld [smem:$0x3FBA];
	_ =	sdelay $0x3  }
0x34: {  	[smem:$0x3FBA] =	sst s10  }
0x35: {  	s10 =	sld [smem:$0x3FB9];
	_ =	sdelay $0x3  }
0x36: {  	p1 =	seq.s32 s10, $0x1;
	s10 =	sld [smem:$0x3FBA];
	_ =	sdelay $0x3  }
0x37: {  	[smem:$0x3FBA] =	sst s10  }
0x38: {  	s10 =	sld [smem:$0x3FBB]  }
0x39: {  	_ = 	snop;
	(pc) =	sbr.ind lr, $3  }
0x3a: {  	_ = 	snop  }
0x3b: {  	_ = 	snop  }
0x3c: {  	p2 =	seq.s32 s10, $0x1;
	s10 =	sld [smem:$0x3FBA]  }
0x3d: {  	_ =	shalt  }
0x3e: {  	_ =	shalt  }
0x3f: {  	_ =	shalt  }
0x40: {  	_ =	shalt  }
0x41: {  	_ =	shalt  }
0x42: {  	_ =	shalt  }
0x43: {  	_ =	shalt  }
0x44: {  	_ =	shalt  }
0x45: {  	_ =	shalt  }
0x46: {  	_ =	shalt  }
0x47: {  	_ =	shalt  }
0x48: {  	_ =	shalt  }
0x49: {  	_ =	shalt  }
0x4a: {  	_ =	shalt  }
0x4b: {  	_ =	shalt  }
0x4c: {  	_ =	shalt  }
0x4d: {  	_ =	shalt  }
0x4e: {  	_ =	shalt  }
0x4f: {  	_ =	shalt  }
0x50: {  	_ =	shalt  }
0x51: {  	_ =	shalt  }
0x52: {  	_ =	shalt  }
0x53: {  	_ =	shalt  }
0x54: {  	_ =	shalt  }
0x55: {  	_ =	shalt  }
0x56: {  	_ =	shalt  }
0x57: {  	_ =	shalt  }
0x58: {  	_ =	shalt  }
0x59: {  	_ =	shalt  }
0x5a: {  	_ =	shalt  }
0x5b: {  	_ =	shalt  }
0x5c: {  	_ =	shalt  }
0x5d: {  	_ =	shalt  }
0x5e: {  	_ =	shalt  }
0x5f: {  	_ =	shalt  }
0x60: {  	_ =	shalt  }
0x61: {  	_ =	shalt  }
0x62: {  	_ =	shalt  }
0x63: {  	_ =	shalt  }
0x64: {  	_ =	shalt  }
0x65: {  	_ =	shalt  }
0x66: {  	_ =	shalt  }
0x67: {  	_ =	shalt  }
0x68: {  	_ =	shalt  }
0x69: {  	_ =	shalt  }
0x6a: {  	_ =	shalt  }
0x6b: {  	_ =	shalt  }
0x6c: {  	_ =	shalt  }
0x6d: {  	_ =	shalt  }
0x6e: {  	_ =	shalt  }
0x6f: {  	_ =	shalt  }
0x70: {  	_ =	shalt  }
0x71: {  	_ =	shalt  }
0x72: {  	_ =	shalt  }
0x73: {  	_ =	shalt  }
0x74: {  	_ =	shalt  }
0x75: {  	_ =	shalt  }
0x76: {  	_ =	shalt  }
0x77: {  	_ =	shalt  }
0x78: {  	_ =	shalt  }
0x79: {  	_ =	shalt  }
0x7a: {  	_ =	shalt  }
0x7b: {  	_ =	shalt  }
0x7c: {  	_ =	shalt  }
0x7d: {  	_ =	shalt  }
0x7e: {  	_ =	shalt  }
0x7f: {  	_ =	shalt  }
0x80: {  	_ =	shalt  }
0x81: {  	_ =	shalt  }
0x82: {  	_ =	shalt  }
0x83: {  	_ =	shalt  }
0x84: {  	_ =	shalt  }
0x85: {  	_ =	shalt  }
0x86: {  	_ =	shalt  }
0x87: {  	_ =	shalt  }
.Lfunc_end0:
.L_simem_size_0:
called_computation_lowered:
.L_overlay_start_0:
0x88: {  	s2 =	sld [smem:$0x3FD9]  }
0x89: {  	s3 =	sld [smem:$0x3FFE];
	_ =	sdelay $0x1  }
0x8a: {  	s1 =	srdreg.scid  }
0x8b: {  	s0 =	sand.u32 $0x1, s1  }
0x8c: {  	s17 =	sshll.u32 s0, $0xA;
	s2 =	sadd.s32 s3, s2  }
0x8d: {  	s2 =	sadd.s32 s2, s17  }
0x8e: {  	[smem:$0x3FC6] =	sst s2  }
0x8f: {  	_ = 	snop  }
0x90: {  	s2 =	sld [smem:$0x3FC8];
	(tm) =	ssettm $0x1  }
0x91: {  	s18 =	sld [smem:$0x3FFB];
	_ =	sdelay $0x3  }
0x92: {  	_ =	strace s18  }
0x93: {  	s3 =	sld [smem:$0x3FFC];
	_ =	sdelay $0x3  }
0x94: {  	_ =	strace s3  }
0x95: {  	s3 =	sld [smem:$0x3FFD];
	_ =	sdelay $0x3  }
0x96: {  	_ =	strace s3  }
0x97: {  	_ =	strace $0x8FFFFFFF  }
0x98: {  	s19 =	sld [smem:$0x3FDB];
	_ =	sdelay $0x1  }
0x99: {  	s4 =	simm.s32 $_scs_section_size  }
0x9a: {  	s5 =	simm.s32 $_size__tile_overlayer_lowered;
	s6 =	simm.s32 $_tile_overlayer_lowered  }
0x9b: {  	s22 =	simm.s32 $0x1BFF;
	s21 =	sshll.u32 s6, $0x1;
	s3 =	sadd.s32 s4, s19  }
0x9c: {  	s7 =	simm.s32 $0x0;
	s20 =	sshll.u32 s5, $0x1;
	s5 =	sadd.s32 s21, s3  }
0x9d: {  	[timem:s7], [sflag:s22] =	dma.local [hbm:s5], s20  }
0x9e: {  	_ =	swait.ge [sflag:s22], s20  }
0x9f: {  	s4 =	ssub.s32 $0x0, s20;
	[sflag:s22] =	ssyncset.done $0x0  }
0xa0: {  	[sflag:s22] =	ssyncadd.s32 s4;
	_ =	sdelay $0x1  }
0xa1: {  	s23 =	simm.s32 $0x1B8B  }
0xa2: {  	_ =	swait.ge [sflag:s23], $0x1  }
0xa3: {  	[sflag:s23] =	ssyncset.done $0x0  }
0xa4: {  	s25 =	simm.s32 $0x1B8E;
	s24 =	sld [smem:$0x3FFE];
	[sflag:s23] =	ssyncadd.s32 $0xFFFFFFFF  }
0xa5: {  	s26 =	simm.s32 $execute0_lowered;
	[smem:$0x3FD2] =	sst s25  }
0xa6: {  	s5 =	sshll.u32 s26, $0x1;
	_ =	strace $0x80000046;
	[dreg:$0x1] =	wrdreg $0xFFFFFFFF  }
0xa7: {  	s28 =	simm.s32 $_size_execute0_lowered;
	s3 =	sadd.s32 s3, s5;
	[dreg:$0x0] =	wrdreg $0x0  }
0xa8: {  	s5 =	sshll.u32 s28, $0x1;
	[dreg:$0x2] =	wrdreg s3  }
0xa9: {  	[dreg:$0x3] =	wrdreg s5  }
0xaa: {  	[dreg:$0x4] =	wrdreg $0xC0  }
0xab: {  	_ =	task [dreg:s7], $0x5FFFF  }
0xac: {  	[dreg:$0x1] =	wrdreg $0xFFFFFFFF  }
0xad: {  	[dreg:$0x0] =	wrdreg $0x60  }
0xae: {  	[dreg:$0x2] =	wrdreg s24  }
0xaf: {  	[dreg:$0x3] =	wrdreg s2  }
0xb0: {  	[dreg:$0x4] =	wrdreg $0x9  }
0xb1: {  	_ =	task.clear_ibuf [dreg:s7], $0x5FFFF;
	_ =	strace $0x90000046  }
0xb2: {  	s29 =	simm.s32 $0x9;
	_ =	strace $0x80000048  }
0xb3: {  	_ =	swait.ge [sflag:s29], $0x1  }
0xb4: {  	[sflag:s29] =	ssyncadd.s32 $0xFFFFFFFF  }
0xb5: {  	_ =	strace $0x90000048  }
0xb6: {  	_ =	sfence  }
0xb7: {  	s30 =	sld [smem:$0x0];
	_ =	sdelay $0x2  }
0xb8: {  	s31 =	sshll.u32 s1, $0xD;
	s1 =	sshrl.u32 s1, $0x2  }
0xb9: {  	s3 =	sand.u32 $0x4000, s31;
	s1 =	sadd.s32 s1, s30  }
0xba: {  	s0 =	sor.u32 s3, s0;
	s1 =	sshll.u32 s1, $0x11  }
0xbb: {  	s0 =	sor.u32 s1, s0  }
0xbc: {  	s0 =	sadd.s32 $0x8F2B, s0  }
0xbd: {  	[sflag:s0] =	ssyncadd.remote.s32 $0x1  }
0xbe: {  	_ =	sfence.sel $0xFFFF  }
0xbf: {  	[dreg:$0x0] =	wrdreg $0xFFFFFFFF;
	(pc) =	sbr.abs _section_cstart, $3  }
0xc0: {  	[dreg:$0x1] =	wrdreg $0xFFFFFFFF  }
0xc1: {  	_ =	task.clear_ibuf [dreg:s7], $0x2FFFF;
	_ =	strace $0x9FFFFFFF  }
0xc2: {  	(tm) =	ssettm $0x7FFFFFFF  }
0xc3: {  	_ =	shalt  }
tec
execute0_lowered:
.L_overlay_start_1:
0x0: {  	(tag) =	ssettag $0x1  }
0x1: {  	s1 =	srdreg.scid  }
0x2: {  	s0 =	stileid.u32;
	s4 =	rddreg [dreg:$0x0]  }
0x3: {  	s7 =	rddreg [dreg:$0x1];
	s12 =	simm.s32 $0x0;
	s3 =	sand.u32 $0x1, s1  }
0x4: {  	s29 =	sshll.u32 s0, $0x1;
	s2 =	sshrl.u32 s0, $0x2;
	s1 =	rddreg [dreg:$0x2]  }
0x5: {  	s5 =	sor.u32 s3, s29;
	s6 =	sor.u32 $0xC, s2;
	s2 =	simm.s32 $0x0  }
0x6: {  	s3 =	ssub.s32 $0x2, s3;
	s8 =	smul.u32 $0xC3800, s6;
	s9 =	sshll.u32 s5, $0x7  }
0x7: {  	[smem:$0x7FF] =	sst s2;
	s30 =	sshll.u32 s5, $0x4;
	s31 =	sshrl.u32 s3, $0x1  }
0x8: {  	s6 =	sand.u32 $0xE, s6;
	s11 =	sand.u32 $0xF, s5;
	s9 =	sand.u32 $0x380, s9  }
0x9: {  	_ =	strace $0x80000047;
	s10 =	ssub.s32 s3, s31;
	s3 =	sadd.s32 s7, s6  }
0xa: {  	v1 =	vmov s11;
	s7 =	simm.s32 $0x2;
	s11 =	simm.s32 $0x18800;
	s8 =	sor.u32 s8, s9  }
0xb: {  	s9 =	sadd.s32 s30, s4;
	s6 =	smax.u32 s10, $0x1;
	s8 =	sshrl.u32 s8, $0x3  }
0xc: {  	v0 =	vlaneseq.u32;
	s10 =	simm.s32 $0x1;
	s5 =	sadd.s32 $0x187200, s9;
	s8 =	sadd.s32 s8, s4  }
0xd: {  	vm0 =	veq.s32 v1, v0;
	v1 =	vimm.f32 $0.0e+00;
	s9 =	simm.s32 $0x80;
	s4 =	sadd.s32 $0x200, s8;
	s8 =	simm.s32 $0x400  }
.LBB2_1:
0xe: {  	[tilespmem:s2], [sflag:$0x2] =	stream.linear.gather [hbm4b:s3+s2], $0x10, $0x38;
	[tilespmem:$0x18880] =	vst v63  }
0xf: {  	_ =	swait.ge [sflag:s7], $0x10  }
0x10: {  	[sflag:s7] =	ssyncset.done $0x0  }
0x11: {  	[sflag:s7] =	ssyncadd.s32 $0xFFFFFFF0  }
0x12: {  	v2 =	vld [tilespmem:$0x0];
	_ =	sdelay $0x4  }
0x13: {  	v2 =	vnsel vm0, $0x0, v2  }
0x14: {  	(xrf0) =	vadd.scan.msk.s32 $0xffff, v2;
	_ =	sdelay $0x5  }
0x15: {  	v2, _, _ =	vpop (xrf0)  }
0x16: {  	(v2sf) =	vpush v2, $0xF;
	_ =	sdelay $0xd  }
0x17: {  	[tilespmem:s9], [sflag:$0x1] =	stream.strided.gather [hbm4b:s4+s9], $0x18700, s8, s9, $0x38;
	[tilespmem:$0x18880] =	vst v63  }
0x18: {  	s13 =	spop (v2sf)  }
0x19: {  	s14 =	sand.u32 $0xF, s13  }
0x1a: {  	s15 =	sshra.s32 s13, $0x1F;
	p0 =	slt.s32 s13, $0x1;
	p1 =	sne.s32 s14, $0x0  }
0x1b: {  	s30 =	sshrl.u32 s15, $0x1C;
	p0 =	por !p0, !p1  }
0x1c: {  	s15 =	simm.s32 $0x1;
	s14 =	sadd.s32 s30, s13;
	p0 =	por !p0, !p0  }
0x1d: {  	_ =	swait.ge [sflag:s10], $0x18700;
	s14 =	sshrl.u32 s14, $0x4;
	s15 =	simm.s32 @!p0 $0x0  }
0x1e: {  	[sflag:s10] =	ssyncset.done $0x0;
	s14 =	ssub.s32 s14, s15  }
0x1f: {  	[sflag:s10] =	ssyncadd.s32 $0xFFFE7900;
	s14 =	sshll.u32 s14, $0x4  }
0x20: {  	v2 =	vld [tilespmem:s14+$0x80];
	_ =	sdelay $0x1  }
0x21: {  	s14 =	ssub.s32 s13, s14  }
0x22: {  	v3 =	vmov s14  }
0x23: {  	vm1 =	veq.s32 v3, v0  }
0x24: {  	v2 =	vnsel vm1, $0x0, v2  }
0x25: {  	(xrf2) =	vadd.scan.msk.f32 $0xffff, v2;
	_ =	sdelay $0x6  }
0x26: {  	s31 =	simm.s32 $0x0;
	[tilespmem:$0x18780] =	vst v1  }
0x27: {  	v3 =	vld [tilespmem:s31+$0x80];
	_ =	sdelay $0x1  }
0x28: {  	v2, _, _ =	vpop (xrf2)  }
0x29: {  	v2 =	vbroadcast v2, $0xF  }
0x2a: {  	v4 =	vmov s13  }
0x2b: {  	vm1 =	vgt.s32 v4, v0;
	vm2 =	veq.f32 v3, v2  }
0x2c: {  	vm3 =	vgt.f32 v3, v2;
	vm1 =	vmand vm1, vm2  }
0x2d: {  	vm1 =	vmor vm3, vm1  }
0x2e: {  	v3 =	vsel vm1, $0x3F800000, v1  }
0x2f: {  	v3 =	vadd.f32 v3, v1;
	_ =	sdelay $0x1  }
0x30: {  	s15 =	simm.s32 $0x10;
	s14 =	simm.s32 $0x80;
	[tilespmem:$0x18780] =	vst v3  }
.LBB2_2:
0x31: {  	p0 =	sne.s32 s14, $0x61A40;
	v4 =	vld [tilespmem:s15+$0x80];
	_ =	sdelay $0x2  }
0x32: {  	s13 =	sadd.s32 $0xFFFFFFF0, s13  }
0x33: {  	v5 =	vmov s13  }
0x34: {  	vm1 =	vgt.s32 v5, v0;
	vm2 =	veq.f32 v4, v2  }
0x35: {  	vm3 =	vgt.f32 v4, v2;
	vm1 =	vmand vm1, vm2  }
.Ltmp0:
0x36: {  	vm1 =	vmor vm3, vm1;
	(pc) =	sbr.rel @p0 .LBB2_2-.Ltmp0, $3  }
0x37: {  	v4 =	vsel vm1, $0x3F800000, v1  }
0x38: {  	v3 =	vadd.f32 v4, v3;
	_ =	sdelay $0x1  }
0x39: {  	s15 =	sshra.s32 s14, $0x2;
	s14 =	sadd.s32 $0x40, s14;
	[tilespmem:$0x18780] =	vst v3  }
0x3a: {  	v4 =	vld [tilespmem:s15+$0x80];
	_ =	sdelay $0x2  }
0x3b: {  	s13 =	sadd.s32 $0xFFFFFFF0, s13  }
0x3c: {  	v5 =	vmov s13  }
0x3d: {  	vm1 =	vgt.s32 v5, v0;
	vm2 =	veq.f32 v4, v2  }
0x3e: {  	vm3 =	vgt.f32 v4, v2;
	vm1 =	vmand vm1, vm2  }
0x3f: {  	vm1 =	vmor vm3, vm1  }
0x40: {  	v2 =	vsel vm1, $0x3F800000, v1  }
0x41: {  	v2 =	vadd.f32 v2, v3;
	_ =	sdelay $0x1  }
0x42: {  	(xrf2) =	vadd.scan.msk.f32 $0xffff, v2;
	_ =	sdelay $0x9  }
0x43: {  	v3, _, _ =	vpop (xrf2)  }
0x44: {  	(v2sf) =	vpush v3, $0xF;
	_ =	sdelay $0xe  }
0x45: {  	s31 =	spop (v2sf)  }
0x46: {  	p0 =	slt.f32 s31, $5.000000000e+00  }
0x47: {  	s13 =	simm.s32 $0x1  }
0x48: {  	s12 =	sadd.s32 $0x1, s12;
	s13 =	simm.s32 @!p0 $0x0  }
0x49: {  	[tilespmem:$0x18780] =	vst v2;
	p0 =	sne.s32 s12, s6;
	v2 =	vmov s13  }
.Ltmp1:
0x4a: {  	[tilespmem:$0x18800] =	vst v2;
	(pc) =	sbr.rel @p0 .LBB2_1-.Ltmp1, $4  }
0x4b: {  	[hbm4b:s5+s2] =	stream.linear.scatter [tilespmem:s11], [sflag:$0x2], $0x80, $0x38;
	[tilespmem:$0x18880] =	vst v63  }
0x4c: {  	_ =	swait.ge [sflag:s7], $0x80  }
0x4d: {  	[sflag:s7] =	ssyncset.done $0x0  }
0x4e: {  	[sflag:s7] =	ssyncadd.s32 $0xFFFFFF80  }
0x4f: {  	_ =	sfence.sel $0x180000  }
0x50: {  	[bflag:$0x0] =	sbarrier.arrive $0xFFFF  }
0x51: {  	p0 =	sne.s32 s0, $0x0;
	_ =	strace $0x90000047  }
0x52: {  	s0 =	sadd.s32 @!p0 $0x100000, s1;
	[bflag:$0x2] =	sbarrier.arrive $0xFFFF  }
0x53: {  	[sflag:s0] =	ssyncadd.tile.s32 @!p0 $0x1;
	_ =	shalt  }
.Lfunc_end2:
_tile_overlayer_lowered:
.L_overlay_start_2:
0x54: {  	(tag) =	ssettag $0x2  }
0x55: {  	s0 =	rddreg [dreg:$0x0];
	s2 =	stileid.u32  }
0x56: {  	s1 =	rddreg [dreg:$0x1];
	p0 =	sne.s32 s2, $0x0  }
0x57: {  	s3 =	rddreg [dreg:$0x2];
	[bflag:$0x3] =	sbarrier.arrive $0xFFFF;
	s2 =	simm.s32 @!p0 $0x1C02  }
0x58: {  	[timem:s3], [sflag:s2] =	dma.local @!p0 [hbm:s0], s1  }
0x59: {  	s0 =	simm.s32 @!p0 $0x2  }
0x5a: {  	_ =	swait.ge @!p0 [sflag:s0], s1  }
0x5b: {  	s1 =	ssub.s32 @!p0 $0x0, s1;
	[sflag:s0] =	ssyncset.done @!p0 $0x0  }
0x5c: {  	[sflag:s0] =	ssyncadd.s32 @!p0 s1  }
0x5d: {  	[bflag:$0x3] =	sbarrier.arrive $0xFFFF  }
0x5e: {  	_ =	shalt  }

</sc_bundles>
